<compile_context>
chip_gen: v7x
topology: tpu7x:2x2x1
jax: 0.10.2.dev20260603
libtpu: 0.0.44.dev20260713+nightly
codegen_flags: <defaults>
</compile_context>

<pallas_src>
import functools

import jax
import jax.numpy as jnp
from jax import lax
from jax.experimental import pallas as pl
from jax.experimental.pallas import tpu as pltpu
from jax.experimental.pallas import tpu_sc as plsc

B = 4096
L = 50
D = 64
NC = 2
NS = 16
NW = NC * NS
BPW = B // NW
LANES = 16
COLS = D // LANES


def _sc_body(idx_hbm, table_hbm, out_hbm, idx_v, acc_v, sem):
    c = lax.axis_index("c")
    s = lax.axis_index("s")
    wid = s * NC + c

    pltpu.sync_copy(idx_hbm.at[wid], idx_v)

    pltpu.async_copy(table_hbm.at[idx_v.at[0]], acc_v, sem).wait()

    def fire(l, carry):
        pltpu.async_copy(table_hbm.at[idx_v.at[l]], acc_v, sem, add=True)
        return carry

    lax.fori_loop(1, L, fire, 0)

    def drain(l, carry):
        pltpu.make_async_copy(table_hbm.at[idx_v.at[0]], acc_v, sem).wait()
        return carry

    lax.fori_loop(1, L, drain, 0)

    inv = jnp.float32(1.0 / L)

    def scale(i, carry):
        for cth in range(COLS):
            sl = pl.ds(cth * LANES, LANES)
            acc_v[i, sl] = acc_v[i, sl] * inv
        return carry

    lax.fori_loop(0, BPW, scale, 0)

    pltpu.sync_copy(acc_v, out_hbm.at[pl.ds(wid * BPW, BPW)])


_mesh = plsc.VectorSubcoreMesh(core_axis_name="c", subcore_axis_name="s")

_sc_call = functools.partial(
    pl.kernel,
    out_type=jax.ShapeDtypeStruct((B, D), jnp.float32),
    mesh=_mesh,
    scratch_types=[
        pltpu.VMEM((L, BPW), jnp.int32),
        pltpu.VMEM((BPW, D), jnp.float32),
        pltpu.SemaphoreType.DMA,
    ],
    compiler_params=pltpu.CompilerParams(use_tc_tiling_on_sc=False),
)(_sc_body)


def kernel(word_ids, table):
    idx = word_ids.astype(jnp.int32)
    idx3 = idx.T.reshape(L, NW, BPW).transpose(1, 0, 2)
    return _sc_call(idx3, table.astype(jnp.float32))

# --- scband reference (transcript-rebuilt; emitter-appended) ---
"""Pipeline reference for scband-word-embedding-49091476193928 (READ-ONLY COPY).

The authoritative reference and input builder live on the scoring server;
editing this copy changes nothing except your own understanding.
"""

import jax, jax.numpy as jnp
import numpy as np

NUM_WORD = 1000000
EMB_DIM = 64
PADDING_IDX = 0

def setup_inputs(seed: int = 0) -> dict:
    key = jax.random.key(seed)
    k_ids, k_tab = jax.random.split(key)
    word_ids = jax.random.randint(k_ids, (4096, 50), 0, NUM_WORD, dtype=jnp.int64 if jax.config.jax_enable_x64 else jnp.int32)
    table = jax.random.normal(k_tab, (NUM_WORD, EMB_DIM), dtype=jnp.float32)
    # nn.Embedding with padding_idx=0 initializes that row to zeros
    table = table.at[PADDING_IDX].set(0.0)
    return {"word_ids": word_ids, "table": table}

def reference(word_ids, table):
    # faithful translation of WordEmbedding.forward
    # embedding lookup (padding row already zero in table)
    word_emb = jnp.take(table, word_ids, axis=0)  # [B, L, D]
    avg_word_emb = jnp.mean(word_emb, axis=-2)    # [B, D]
    return avg_word_emb

if __name__ == "__main__":
    import jax
    _d = setup_inputs()
    print(jax.jit(kernel)(*tuple(_d.values())))

</pallas_src>

<mosaic_0001>
#map = affine_map<(d0, d1) -> (0, 0, 0)>
#map1 = affine_map<(d0, d1) -> (0, 0)>
module attributes {stable_mosaic.version = 14 : i64} {
  func.func @_sc_body(%arg0: i32, %arg1: i32, %arg2: memref<32x50x128xi32, #tpu.memory_space<hbm>>, %arg3: memref<1000000x64xf32, #tpu.memory_space<hbm>>, %arg4: memref<4096x64xf32, #tpu.memory_space<hbm>>, %arg5: memref<50x128xi32, #tpu.memory_space<vmem>>, %arg6: memref<128x64xf32, #tpu.memory_space<vmem>>, %arg7: memref<!tpu.dma_semaphore, #tpu.memory_space<semaphore_mem>>) attributes {dimension_semantics = [#tpu.dimension_semantics<core_parallel>, #tpu.dimension_semantics<subcore_parallel>], iteration_bounds = array<i64: 2, 16>, scalar_prefetch = 0 : i64, scratch_operands = 3 : i64, tpu.core_type = #tpu.core_type<sc_vector_subcore>, window_params = [{transform_indices = #map}, {transform_indices = #map1}, {transform_indices = #map1}]} {
    %mul3A = arith.constant 2 : i32
    %mul3A_0 = arith.muli %arg1, %mul3A : i32
    %add3A = arith.addi %mul3A_0, %arg0 : i32
    "tpu.region"() ({
      %run_scoped3A = tpu.sem_alloc : memref<!tpu.dma_semaphore, #tpu.memory_space<semaphore_mem>>
      %dma_start3A_33 = arith.constant 0 : i32
      %dma_start3A_34 = arith.constant 0 : i32
      %dma_start3A_35 = tpu.memref_slice %arg2[%add3A, %dma_start3A_33, %dma_start3A_34] : memref<32x50x128xi32, #tpu.memory_space<hbm>> -> memref<1x50x128xi32, #tpu.memory_space<hbm>>
      %dma_start3A_36 = tpu.memref_squeeze %dma_start3A_35 : memref<1x50x128xi32, #tpu.memory_space<hbm>> -> memref<50x128xi32, #tpu.memory_space<hbm>>
      %dma_start3A_37 = arith.constant 0 : i32
      %dma_start3A_38 = arith.constant 0 : i32
      %dma_start3A_39 = tpu.memref_slice %arg2[%add3A, %dma_start3A_37, %dma_start3A_38] : memref<32x50x128xi32, #tpu.memory_space<hbm>> -> memref<1x50x128xi32, #tpu.memory_space<hbm>>
      %dma_start3A_40 = tpu.memref_squeeze %dma_start3A_39 : memref<1x50x128xi32, #tpu.memory_space<hbm>> -> memref<50x128xi32, #tpu.memory_space<hbm>>
      tpu.enqueue_dma source(%dma_start3A_40 : memref<50x128xi32, #tpu.memory_space<hbm>>) target(%arg5 : memref<50x128xi32, #tpu.memory_space<vmem>>) target_semaphore(%run_scoped3A : memref<!tpu.dma_semaphore, #tpu.memory_space<semaphore_mem>>)
      %dma_wait3A_41 = arith.constant 0 : i32
      %dma_wait3A_42 = arith.constant 0 : i32
      %dma_wait3A_43 = tpu.memref_slice %arg2[%add3A, %dma_wait3A_41, %dma_wait3A_42] : memref<32x50x128xi32, #tpu.memory_space<hbm>> -> memref<1x50x128xi32, #tpu.memory_space<hbm>>
      %dma_wait3A_44 = tpu.memref_squeeze %dma_wait3A_43 : memref<1x50x128xi32, #tpu.memory_space<hbm>> -> memref<50x128xi32, #tpu.memory_space<hbm>>
      %dma_wait3A_45 = arith.constant 0 : i32
      %dma_wait3A_46 = arith.constant 0 : i32
      %dma_wait3A_47 = tpu.memref_slice %arg2[%add3A, %dma_wait3A_45, %dma_wait3A_46] : memref<32x50x128xi32, #tpu.memory_space<hbm>> -> memref<1x50x128xi32, #tpu.memory_space<hbm>>
      %dma_wait3A_48 = tpu.memref_squeeze %dma_wait3A_47 : memref<1x50x128xi32, #tpu.memory_space<hbm>> -> memref<50x128xi32, #tpu.memory_space<hbm>>
      tpu.wait_dma2 semaphore(%run_scoped3A : memref<!tpu.dma_semaphore, #tpu.memory_space<semaphore_mem>>) src(%dma_wait3A_48 : memref<50x128xi32, #tpu.memory_space<hbm>>) dst(%arg5 : memref<50x128xi32, #tpu.memory_space<vmem>>)
      tpu.yield
    }) : () -> ()
    %dma_start3A = arith.constant 0 : i32
    %dma_start3A_1 = arith.constant 0 : i32
    %dma_start3A_2 = tpu.memref_slice %arg5[%dma_start3A, %dma_start3A_1] : memref<50x128xi32, #tpu.memory_space<vmem>> -> memref<1x128xi32, #tpu.memory_space<vmem>>
    %dma_start3A_3 = tpu.memref_squeeze %dma_start3A_2 : memref<1x128xi32, #tpu.memory_space<vmem>> -> memref<128xi32, #tpu.memory_space<vmem>>
    %dma_start3A_4 = arith.constant 0 : i32
    %dma_start3A_5 = arith.constant 0 : i32
    %dma_start3A_6 = tpu.memref_slice %arg3[%dma_start3A_4, %dma_start3A_5] : memref<1000000x64xf32, #tpu.memory_space<hbm>> -> memref<1000000x64xf32, #tpu.memory_space<hbm>>
    tpu.enqueue_indirect_dma source(%dma_start3A_6 : memref<1000000x64xf32, #tpu.memory_space<hbm>>) target(%arg6 : memref<128x64xf32, #tpu.memory_space<vmem>>) offsets(%dma_start3A_3 : memref<128xi32, #tpu.memory_space<vmem>>) semaphore(%arg7 : memref<!tpu.dma_semaphore, #tpu.memory_space<semaphore_mem>>)
    %dma_wait3A = arith.constant 0 : i32
    %dma_wait3A_7 = arith.constant 0 : i32
    %dma_wait3A_8 = tpu.memref_slice %arg5[%dma_wait3A, %dma_wait3A_7] : memref<50x128xi32, #tpu.memory_space<vmem>> -> memref<1x128xi32, #tpu.memory_space<vmem>>
    %dma_wait3A_9 = tpu.memref_squeeze %dma_wait3A_8 : memref<1x128xi32, #tpu.memory_space<vmem>> -> memref<128xi32, #tpu.memory_space<vmem>>
    %dma_wait3A_10 = arith.constant 0 : i32
    %dma_wait3A_11 = arith.constant 0 : i32
    %dma_wait3A_12 = tpu.memref_slice %arg3[%dma_wait3A_10, %dma_wait3A_11] : memref<1000000x64xf32, #tpu.memory_space<hbm>> -> memref<1000000x64xf32, #tpu.memory_space<hbm>>
    tpu.wait_indirect_dma semaphore(%arg7 : memref<!tpu.dma_semaphore, #tpu.memory_space<semaphore_mem>>) src(%dma_wait3A_12 : memref<1000000x64xf32, #tpu.memory_space<hbm>>) dst(%arg6 : memref<128x64xf32, #tpu.memory_space<vmem>>)
    %scan3A = arith.constant 0 : i32
    %scan3A_13 = arith.constant 1 : i32
    %scan3A_14 = arith.constant 49 : i32
    %scan3A_15 = arith.addi %scan3A_13, %scan3A_14 : i32
    %scan3A_16 = arith.constant 1 : i32
    scf.for %scan3A_33 = %scan3A_13 to %scan3A_15 step %scan3A_16  : i32 {
      %dma_start3A_34 = arith.constant 0 : i32
      %dma_start3A_35 = tpu.memref_slice %arg5[%scan3A_33, %dma_start3A_34] : memref<50x128xi32, #tpu.memory_space<vmem>> -> memref<1x128xi32, #tpu.memory_space<vmem>>
      %dma_start3A_36 = tpu.memref_squeeze %dma_start3A_35 : memref<1x128xi32, #tpu.memory_space<vmem>> -> memref<128xi32, #tpu.memory_space<vmem>>
      %dma_start3A_37 = arith.constant 0 : i32
      %dma_start3A_38 = arith.constant 0 : i32
      %dma_start3A_39 = tpu.memref_slice %arg3[%dma_start3A_37, %dma_start3A_38] : memref<1000000x64xf32, #tpu.memory_space<hbm>> -> memref<1000000x64xf32, #tpu.memory_space<hbm>>
      tpu.enqueue_indirect_dma source(%dma_start3A_39 : memref<1000000x64xf32, #tpu.memory_space<hbm>>) target(%arg6 : memref<128x64xf32, #tpu.memory_space<vmem>>) offsets(%dma_start3A_36 : memref<128xi32, #tpu.memory_space<vmem>>) semaphore(%arg7 : memref<!tpu.dma_semaphore, #tpu.memory_space<semaphore_mem>>) {add = true}
    }
    %scan3A_17 = arith.constant 49 : i32
    %scan3A_18 = arith.constant 0 : i32
    %scan3A_19 = arith.constant 1 : i32
    %scan3A_20 = arith.constant 49 : i32
    %scan3A_21 = arith.addi %scan3A_19, %scan3A_20 : i32
    %scan3A_22 = arith.constant 1 : i32
    scf.for %scan3A_33 = %scan3A_19 to %scan3A_21 step %scan3A_22  : i32 {
      %dma_wait3A_34 = arith.constant 0 : i32
      %dma_wait3A_35 = arith.constant 0 : i32
      %dma_wait3A_36 = tpu.memref_slice %arg5[%dma_wait3A_34, %dma_wait3A_35] : memref<50x128xi32, #tpu.memory_space<vmem>> -> memref<1x128xi32, #tpu.memory_space<vmem>>
      %dma_wait3A_37 = tpu.memref_squeeze %dma_wait3A_36 : memref<1x128xi32, #tpu.memory_space<vmem>> -> memref<128xi32, #tpu.memory_space<vmem>>
      %dma_wait3A_38 = arith.constant 0 : i32
      %dma_wait3A_39 = arith.constant 0 : i32
      %dma_wait3A_40 = tpu.memref_slice %arg3[%dma_wait3A_38, %dma_wait3A_39] : memref<1000000x64xf32, #tpu.memory_space<hbm>> -> memref<1000000x64xf32, #tpu.memory_space<hbm>>
      tpu.wait_indirect_dma semaphore(%arg7 : memref<!tpu.dma_semaphore, #tpu.memory_space<semaphore_mem>>) src(%dma_wait3A_40 : memref<1000000x64xf32, #tpu.memory_space<hbm>>) dst(%arg6 : memref<128x64xf32, #tpu.memory_space<vmem>>)
    }
    %scan3A_23 = arith.constant 49 : i32
    %scan3A_24 = arith.constant 0 : i32
    %scan3A_25 = arith.constant 2.000000e-02 : f32
    %scan3A_26 = arith.constant 0 : i32
    %scan3A_27 = arith.constant 128 : i32
    %scan3A_28 = arith.addi %scan3A_26, %scan3A_27 : i32
    %scan3A_29 = arith.constant 1 : i32
    scf.for %scan3A_33 = %scan3A_26 to %scan3A_28 step %scan3A_29  : i32 {
      %get3A = arith.index_cast %scan3A_33 : i32 to index
      %get3A_34 = arith.constant 0 : index
      %get3A_35 = tpu.vector_load %arg6[%get3A, %get3A_34] {strides = array<i32>} : memref<128x64xf32, #tpu.memory_space<vmem>>, vector<1x16xf32>,
      %get3A_36 = vector.shape_cast %get3A_35 : vector<1x16xf32> to vector<16xf32>
      %mul3A_37 = vector.broadcast %scan3A_25 : f32 to vector<16xf32>
      %mul3A_38 = arith.mulf %get3A_36, %mul3A_37 : vector<16xf32>
      %swap3A = arith.index_cast %scan3A_33 : i32 to index
      %swap3A_39 = arith.constant 0 : index
      %swap3A_40 = tpu.vector_load %arg6[%swap3A, %swap3A_39] {strides = array<i32>} : memref<128x64xf32, #tpu.memory_space<vmem>>, vector<1x16xf32>,
      %swap3A_41 = vector.shape_cast %swap3A_40 : vector<1x16xf32> to vector<16xf32>
      %swap3A_42 = vector.shape_cast %mul3A_38 : vector<16xf32> to vector<1x16xf32>
      tpu.vector_store %arg6[%swap3A, %swap3A_39], %swap3A_42 {strides = array<i32>} : memref<128x64xf32, #tpu.memory_space<vmem>>, vector<1x16xf32>,
      %get3A_43 = arith.index_cast %scan3A_33 : i32 to index
      %get3A_44 = arith.constant 16 : index
      %get3A_45 = tpu.vector_load %arg6[%get3A_43, %get3A_44] {strides = array<i32>} : memref<128x64xf32, #tpu.memory_space<vmem>>, vector<1x16xf32>,
      %get3A_46 = vector.shape_cast %get3A_45 : vector<1x16xf32> to vector<16xf32>
      %mul3A_47 = vector.broadcast %scan3A_25 : f32 to vector<16xf32>
      %mul3A_48 = arith.mulf %get3A_46, %mul3A_47 : vector<16xf32>
      %swap3A_49 = arith.index_cast %scan3A_33 : i32 to index
      %swap3A_50 = arith.constant 16 : index
      %swap3A_51 = tpu.vector_load %arg6[%swap3A_49, %swap3A_50] {strides = array<i32>} : memref<128x64xf32, #tpu.memory_space<vmem>>, vector<1x16xf32>,
      %swap3A_52 = vector.shape_cast %swap3A_51 : vector<1x16xf32> to vector<16xf32>
      %swap3A_53 = vector.shape_cast %mul3A_48 : vector<16xf32> to vector<1x16xf32>
      tpu.vector_store %arg6[%swap3A_49, %swap3A_50], %swap3A_53 {strides = array<i32>} : memref<128x64xf32, #tpu.memory_space<vmem>>, vector<1x16xf32>,
      %get3A_54 = arith.index_cast %scan3A_33 : i32 to index
      %get3A_55 = arith.constant 32 : index
      %get3A_56 = tpu.vector_load %arg6[%get3A_54, %get3A_55] {strides = array<i32>} : memref<128x64xf32, #tpu.memory_space<vmem>>, vector<1x16xf32>,
      %get3A_57 = vector.shape_cast %get3A_56 : vector<1x16xf32> to vector<16xf32>
      %mul3A_58 = vector.broadcast %scan3A_25 : f32 to vector<16xf32>
      %mul3A_59 = arith.mulf %get3A_57, %mul3A_58 : vector<16xf32>
      %swap3A_60 = arith.index_cast %scan3A_33 : i32 to index
      %swap3A_61 = arith.constant 32 : index
      %swap3A_62 = tpu.vector_load %arg6[%swap3A_60, %swap3A_61] {strides = array<i32>} : memref<128x64xf32, #tpu.memory_space<vmem>>, vector<1x16xf32>,
      %swap3A_63 = vector.shape_cast %swap3A_62 : vector<1x16xf32> to vector<16xf32>
      %swap3A_64 = vector.shape_cast %mul3A_59 : vector<16xf32> to vector<1x16xf32>
      tpu.vector_store %arg6[%swap3A_60, %swap3A_61], %swap3A_64 {strides = array<i32>} : memref<128x64xf32, #tpu.memory_space<vmem>>, vector<1x16xf32>,
      %get3A_65 = arith.index_cast %scan3A_33 : i32 to index
      %get3A_66 = arith.constant 48 : index
      %get3A_67 = tpu.vector_load %arg6[%get3A_65, %get3A_66] {strides = array<i32>} : memref<128x64xf32, #tpu.memory_space<vmem>>, vector<1x16xf32>,
      %get3A_68 = vector.shape_cast %get3A_67 : vector<1x16xf32> to vector<16xf32>
      %mul3A_69 = vector.broadcast %scan3A_25 : f32 to vector<16xf32>
      %mul3A_70 = arith.mulf %get3A_68, %mul3A_69 : vector<16xf32>
      %swap3A_71 = arith.index_cast %scan3A_33 : i32 to index
      %swap3A_72 = arith.constant 48 : index
      %swap3A_73 = tpu.vector_load %arg6[%swap3A_71, %swap3A_72] {strides = array<i32>} : memref<128x64xf32, #tpu.memory_space<vmem>>, vector<1x16xf32>,
      %swap3A_74 = vector.shape_cast %swap3A_73 : vector<1x16xf32> to vector<16xf32>
      %swap3A_75 = vector.shape_cast %mul3A_70 : vector<16xf32> to vector<1x16xf32>
      tpu.vector_store %arg6[%swap3A_71, %swap3A_72], %swap3A_75 {strides = array<i32>} : memref<128x64xf32, #tpu.memory_space<vmem>>, vector<1x16xf32>,
    }
    %scan3A_30 = arith.constant 128 : i32
    %mul3A_31 = arith.constant 128 : i32
    %mul3A_32 = arith.muli %add3A, %mul3A_31 : i32
    "tpu.region"() ({
      %run_scoped3A = tpu.sem_alloc : memref<!tpu.dma_semaphore, #tpu.memory_space<semaphore_mem>>
      %dma_start3A_33 = arith.constant 0 : i32
      %dma_start3A_34 = tpu.memref_slice %arg4[%mul3A_32, %dma_start3A_33] : memref<4096x64xf32, #tpu.memory_space<hbm>> -> memref<128x64xf32, #tpu.memory_space<hbm>>
      %dma_start3A_35 = arith.constant 0 : i32
      %dma_start3A_36 = tpu.memref_slice %arg4[%mul3A_32, %dma_start3A_35] : memref<4096x64xf32, #tpu.memory_space<hbm>> -> memref<128x64xf32, #tpu.memory_space<hbm>>
      tpu.enqueue_dma source(%arg6 : memref<128x64xf32, #tpu.memory_space<vmem>>) target(%dma_start3A_36 : memref<128x64xf32, #tpu.memory_space<hbm>>) target_semaphore(%run_scoped3A : memref<!tpu.dma_semaphore, #tpu.memory_space<semaphore_mem>>)
      %dma_wait3A_37 = arith.constant 0 : i32
      %dma_wait3A_38 = tpu.memref_slice %arg4[%mul3A_32, %dma_wait3A_37] : memref<4096x64xf32, #tpu.memory_space<hbm>> -> memref<128x64xf32, #tpu.memory_space<hbm>>
      %dma_wait3A_39 = arith.constant 0 : i32
      %dma_wait3A_40 = tpu.memref_slice %arg4[%mul3A_32, %dma_wait3A_39] : memref<4096x64xf32, #tpu.memory_space<hbm>> -> memref<128x64xf32, #tpu.memory_space<hbm>>
      tpu.wait_dma2 semaphore(%run_scoped3A : memref<!tpu.dma_semaphore, #tpu.memory_space<semaphore_mem>>) src(%arg6 : memref<128x64xf32, #tpu.memory_space<vmem>>) dst(%dma_wait3A_40 : memref<128x64xf32, #tpu.memory_space<hbm>>)
      tpu.yield
    }) : () -> ()
    return
  }
}

</mosaic_0001>

<sc_bundles>
// kernel: kernel.3.cloned.1.call-start
scs
__scs_entry_jumppad:
0x0: {  	(pc) =	sbr.rel $0x88, $3  }
0x1: {  	(tag) =	ssettag $0x0;
	lr =	simm.s32 $0x1  }
0x2: {  	[smem:$0x3F9F] =	sst lr;
	_ =	strace $0xD0000000  }
0x3: {  	_ = 	snop  }
0x4: {  	_ = 	snop  }
0x5: {  	_ = 	snop  }
0x6: {  	_ = 	snop  }
0x7: {  	_ = 	snop  }
__scs_overlays_trampoline_lowered:
0x8: {  	[smem:$0x3FAE] =	sst s0  }
0x9: {  	[smem:$0x3FAF] =	sst s1  }
0xa: {  	[smem:$0x3FB0] =	sst s2  }
0xb: {  	[smem:$0x3FB1] =	sst s3  }
0xc: {  	[smem:$0x3FB2] =	sst s4  }
0xd: {  	[smem:$0x3FB3] =	sst s5  }
0xe: {  	[smem:$0x3FB4] =	sst s6  }
0xf: {  	[smem:$0x3FB5] =	sst s7  }
0x10: {  	[smem:$0x3FB6] =	sst s8  }
0x11: {  	[smem:$0x3FB7] =	sst s9;
	s0 =	simm.s32 @!p0 $0x0  }
0x12: {  	s1 =	sld [smem:$0x3F9D];
	s0 =	simm.s32 @p0 $0x1  }
0x13: {  	[smem:$0x3FB8] =	sst s0;
	s0 =	simm.s32 @!p1 $0x0  }
0x14: {  	s2 =	sld [smem:$0x3F9C];
	s0 =	simm.s32 @p1 $0x1  }
0x15: {  	[smem:$0x3FB9] =	sst s0;
	s0 =	simm.s32 @!p2 $0x0  }
0x16: {  	s3 =	sld [smem:$0x3FDB];
	s0 =	simm.s32 @p2 $0x1  }
0x17: {  	s4 =	simm.s32 $0x1BF5;
	[smem:$0x3FBB] =	sst s0  }
0x18: {  	s0 =	sld [smem:$0x3F9E];
	_ =	swait.ge [sflag:s4], $0x0  }
0x19: {  	s7 =	sld [smem:$0x3F9F]  }
0x1a: {  	s8 =	sadd.s32 $0xFFFFE003, lr  }
0x1b: {  	s9 =	sadd.s32 $0xFFFFFEF7, lr;
	s5 =	simm.s32 $0xFFFFFFFF;
	p2 =	slt.u32 s8, $0xFFFFF086  }
0x1c: {  	p1 =	slt.u32 s9, $0xF7A;
	s5 =	simm.s32 @!p2 $0x0  }
0x1d: {  	s5 =	simm.s32 @p1 $0x1;
	p0 =	seq.s32 s7, s2  }
0x1e: {  	s7 =	smul.u32 @!p0 $0xF7A, s2;
	p2 =	seq.s32 @!p0 s5, $0x0  }
0x1f: {  	s9 =	smul.u32 $0xF7A, s1;
	s8 =	simm.s32 @!p0 $0x1BF5;
	p2 =	por !p2, p0  }
0x20: {  	[sflag:s8] =	ssyncset.s32 @!p0 $0xFFFFF086;
	s6 =	sadd.s32 @!p0 s3, s7;
	s7 =	simm.s32 @!p0 $0x108  }
0x21: {  	s3 =	sadd.s32 s3, s9;
	s6 =	sadd.s32 @!p0 $0x88, s6;
	s7 =	simm.s32 @p2 $0x1082  }
0x22: {  	[simem:s7], [sflag:s8] =	dma.local @!p0 [hbm:s6], $0xF7A  }
0x23: {  	s9 =	sor.u32 $0xD0000000, s2;
	s6 =	simm.s32 $0x108;
	_ =	swait.ge @!p0 [sflag:s8], $0x0  }
0x24: {  	s3 =	sadd.s32 $0x88, s3;
	s6 =	simm.s32 @!p1 $0x1082;
	[sflag:s4] =	ssyncset.s32 $0xFFFFF086  }
0x25: {  	[simem:s6], [sflag:s4] =	dma.local [hbm:s3], $0xF7A  }
0x26: {  	[smem:$0x3F9F] =	sst s1;
	(tag) =	ssettag s2;
	_ =	strace s9  }
0x27: {  	s1 =	sld [smem:$0x3FAF]  }
0x28: {  	s2 =	sld [smem:$0x3FB0]  }
0x29: {  	s4 =	sld [smem:$0x3FB2]  }
0x2a: {  	p0 =	seq.s32 s5, $0x0;
	s5 =	sld [smem:$0x3FB3]  }
0x2b: {  	s6 =	sld [smem:$0x3FB4]  }
0x2c: {  	s7 =	sld [smem:$0x3FB5]  }
0x2d: {  	s3 =	simm.s32 $0x108;
	s8 =	sld [smem:$0x3FB6]  }
0x2e: {  	s3 =	simm.s32 @!p0 $0x1082;
	s9 =	sld [smem:$0x3FB7]  }
0x2f: {  	lr =	sadd.s32 s0, s3;
	s0 =	sld [smem:$0x3FAE]  }
0x30: {  	s3 =	sld [smem:$0x3FB1]  }
0x31: {  	[smem:$0x3FBA] =	sst s10  }
0x32: {  	s10 =	sld [smem:$0x3FB8];
	_ =	sdelay $0x3  }
0x33: {  	p0 =	seq.s32 s10, $0x1;
	s10 =	sld [smem:$0x3FBA];
	_ =	sdelay $0x3  }
0x34: {  	[smem:$0x3FBA] =	sst s10  }
0x35: {  	s10 =	sld [smem:$0x3FB9];
	_ =	sdelay $0x3  }
0x36: {  	p1 =	seq.s32 s10, $0x1;
	s10 =	sld [smem:$0x3FBA];
	_ =	sdelay $0x3  }
0x37: {  	[smem:$0x3FBA] =	sst s10  }
0x38: {  	s10 =	sld [smem:$0x3FBB]  }
0x39: {  	_ = 	snop;
	(pc) =	sbr.ind lr, $3  }
0x3a: {  	_ = 	snop  }
0x3b: {  	_ = 	snop  }
0x3c: {  	p2 =	seq.s32 s10, $0x1;
	s10 =	sld [smem:$0x3FBA]  }
0x3d: {  	_ =	shalt  }
0x3e: {  	_ =	shalt  }
0x3f: {  	_ =	shalt  }
0x40: {  	_ =	shalt  }
0x41: {  	_ =	shalt  }
0x42: {  	_ =	shalt  }
0x43: {  	_ =	shalt  }
0x44: {  	_ =	shalt  }
0x45: {  	_ =	shalt  }
0x46: {  	_ =	shalt  }
0x47: {  	_ =	shalt  }
0x48: {  	_ =	shalt  }
0x49: {  	_ =	shalt  }
0x4a: {  	_ =	shalt  }
0x4b: {  	_ =	shalt  }
0x4c: {  	_ =	shalt  }
0x4d: {  	_ =	shalt  }
0x4e: {  	_ =	shalt  }
0x4f: {  	_ =	shalt  }
0x50: {  	_ =	shalt  }
0x51: {  	_ =	shalt  }
0x52: {  	_ =	shalt  }
0x53: {  	_ =	shalt  }
0x54: {  	_ =	shalt  }
0x55: {  	_ =	shalt  }
0x56: {  	_ =	shalt  }
0x57: {  	_ =	shalt  }
0x58: {  	_ =	shalt  }
0x59: {  	_ =	shalt  }
0x5a: {  	_ =	shalt  }
0x5b: {  	_ =	shalt  }
0x5c: {  	_ =	shalt  }
0x5d: {  	_ =	shalt  }
0x5e: {  	_ =	shalt  }
0x5f: {  	_ =	shalt  }
0x60: {  	_ =	shalt  }
0x61: {  	_ =	shalt  }
0x62: {  	_ =	shalt  }
0x63: {  	_ =	shalt  }
0x64: {  	_ =	shalt  }
0x65: {  	_ =	shalt  }
0x66: {  	_ =	shalt  }
0x67: {  	_ =	shalt  }
0x68: {  	_ =	shalt  }
0x69: {  	_ =	shalt  }
0x6a: {  	_ =	shalt  }
0x6b: {  	_ =	shalt  }
0x6c: {  	_ =	shalt  }
0x6d: {  	_ =	shalt  }
0x6e: {  	_ =	shalt  }
0x6f: {  	_ =	shalt  }
0x70: {  	_ =	shalt  }
0x71: {  	_ =	shalt  }
0x72: {  	_ =	shalt  }
0x73: {  	_ =	shalt  }
0x74: {  	_ =	shalt  }
0x75: {  	_ =	shalt  }
0x76: {  	_ =	shalt  }
0x77: {  	_ =	shalt  }
0x78: {  	_ =	shalt  }
0x79: {  	_ =	shalt  }
0x7a: {  	_ =	shalt  }
0x7b: {  	_ =	shalt  }
0x7c: {  	_ =	shalt  }
0x7d: {  	_ =	shalt  }
0x7e: {  	_ =	shalt  }
0x7f: {  	_ =	shalt  }
0x80: {  	_ =	shalt  }
0x81: {  	_ =	shalt  }
0x82: {  	_ =	shalt  }
0x83: {  	_ =	shalt  }
0x84: {  	_ =	shalt  }
0x85: {  	_ =	shalt  }
0x86: {  	_ =	shalt  }
0x87: {  	_ =	shalt  }
.Lfunc_end0:
.L_simem_size_0:
called_computation_lowered:
.L_overlay_start_0:
0x88: {  	s2 =	sld [smem:$0x3FD9]  }
0x89: {  	s3 =	sld [smem:$0x3FFE];
	_ =	sdelay $0x1  }
0x8a: {  	s1 =	srdreg.scid  }
0x8b: {  	s0 =	sand.u32 $0x1, s1  }
0x8c: {  	s17 =	sshll.u32 s0, $0xA;
	s2 =	sadd.s32 s3, s2  }
0x8d: {  	s2 =	sadd.s32 s2, s17  }
0x8e: {  	[smem:$0x3FC6] =	sst s2  }
0x8f: {  	_ = 	snop  }
0x90: {  	s2 =	sld [smem:$0x3FD0];
	(tm) =	ssettm $0x1  }
0x91: {  	s18 =	sld [smem:$0x3FFB];
	_ =	sdelay $0x3  }
0x92: {  	_ =	strace s18  }
0x93: {  	s3 =	sld [smem:$0x3FFC];
	_ =	sdelay $0x3  }
0x94: {  	_ =	strace s3  }
0x95: {  	s3 =	sld [smem:$0x3FFD];
	_ =	sdelay $0x3  }
0x96: {  	_ =	strace s3  }
0x97: {  	_ =	strace $0x8FFFFFFF  }
0x98: {  	s19 =	sld [smem:$0x3FDB];
	_ =	sdelay $0x1  }
0x99: {  	s4 =	simm.s32 $_scs_section_size  }
0x9a: {  	s5 =	simm.s32 $_size__tile_overlayer_lowered;
	s6 =	simm.s32 $_tile_overlayer_lowered  }
0x9b: {  	s22 =	simm.s32 $0x1BFF;
	s21 =	sshll.u32 s6, $0x1;
	s3 =	sadd.s32 s4, s19  }
0x9c: {  	s7 =	simm.s32 $0x0;
	s20 =	sshll.u32 s5, $0x1;
	s5 =	sadd.s32 s21, s3  }
0x9d: {  	[timem:s7], [sflag:s22] =	dma.local [hbm:s5], s20  }
0x9e: {  	_ =	swait.ge [sflag:s22], s20  }
0x9f: {  	s4 =	ssub.s32 $0x0, s20;
	[sflag:s22] =	ssyncset.done $0x0  }
0xa0: {  	[sflag:s22] =	ssyncadd.s32 s4;
	_ =	sdelay $0x1  }
0xa1: {  	s23 =	simm.s32 $0x1B8B  }
0xa2: {  	_ =	swait.ge [sflag:s23], $0x1  }
0xa3: {  	[sflag:s23] =	ssyncset.done $0x0  }
0xa4: {  	s25 =	simm.s32 $0x1B8E;
	s24 =	sld [smem:$0x3FFE];
	[sflag:s23] =	ssyncadd.s32 $0xFFFFFFFF  }
0xa5: {  	s26 =	simm.s32 $execute0_lowered;
	[smem:$0x3FD2] =	sst s25  }
0xa6: {  	s5 =	sshll.u32 s26, $0x1;
	_ =	strace $0x80000046;
	[dreg:$0x1] =	wrdreg $0xFFFFFFFF  }
0xa7: {  	s28 =	simm.s32 $_size_execute0_lowered;
	s3 =	sadd.s32 s3, s5;
	[dreg:$0x0] =	wrdreg $0x0  }
0xa8: {  	s5 =	sshll.u32 s28, $0x1;
	[dreg:$0x2] =	wrdreg s3  }
0xa9: {  	[dreg:$0x3] =	wrdreg s5  }
0xaa: {  	[dreg:$0x4] =	wrdreg $0xC0  }
0xab: {  	_ =	task [dreg:s7], $0x5FFFF  }
0xac: {  	[dreg:$0x1] =	wrdreg $0xFFFFFFFF  }
0xad: {  	[dreg:$0x0] =	wrdreg $0x60  }
0xae: {  	[dreg:$0x2] =	wrdreg s24  }
0xaf: {  	[dreg:$0x3] =	wrdreg s2  }
0xb0: {  	[dreg:$0x4] =	wrdreg $0x9  }
0xb1: {  	_ =	task.clear_ibuf [dreg:s7], $0x5FFFF;
	_ =	strace $0x90000046  }
0xb2: {  	s29 =	simm.s32 $0x9;
	_ =	strace $0x80000048  }
0xb3: {  	_ =	swait.ge [sflag:s29], $0x1  }
0xb4: {  	[sflag:s29] =	ssyncadd.s32 $0xFFFFFFFF  }
0xb5: {  	_ =	strace $0x90000048  }
0xb6: {  	_ =	sfence  }
0xb7: {  	s30 =	sld [smem:$0x0];
	_ =	sdelay $0x2  }
0xb8: {  	s31 =	sshll.u32 s1, $0xD;
	s1 =	sshrl.u32 s1, $0x2  }
0xb9: {  	s3 =	sand.u32 $0x4000, s31;
	s1 =	sadd.s32 s1, s30  }
0xba: {  	s0 =	sor.u32 s3, s0;
	s1 =	sshll.u32 s1, $0x11  }
0xbb: {  	s0 =	sor.u32 s1, s0  }
0xbc: {  	s0 =	sadd.s32 $0x8F2B, s0  }
0xbd: {  	[sflag:s0] =	ssyncadd.remote.s32 $0x1  }
0xbe: {  	_ =	sfence.sel $0xFFFF  }
0xbf: {  	[dreg:$0x0] =	wrdreg $0xFFFFFFFF;
	(pc) =	sbr.abs _section_cstart, $3  }
0xc0: {  	[dreg:$0x1] =	wrdreg $0xFFFFFFFF  }
0xc1: {  	_ =	task.clear_ibuf [dreg:s7], $0x2FFFF;
	_ =	strace $0x9FFFFFFF  }
0xc2: {  	(tm) =	ssettm $0x7FFFFFFF  }
0xc3: {  	_ =	shalt  }
tec
execute0_lowered:
.L_overlay_start_1:
0x0: {  	(tag) =	ssettag $0x1  }
0x1: {  	s0 =	srdreg.scid;
	s1 =	rddreg [dreg:$0x0]  }
0x2: {  	s2 =	stileid.u32;
	s5 =	rddreg [dreg:$0x1]  }
0x3: {  	s8 =	simm.s32 $0x80;
	s9 =	simm.s32 $0x1900;
	s10 =	simm.s32 $0x1  }
0x4: {  	s19 =	simm.s32 $0x1000;
	s20 =	simm.s32 $0x1080;
	s21 =	simm.s32 $0x1100  }
0x5: {  	s22 =	simm.s32 $0x1180;
	s23 =	simm.s32 $0x1200;
	s24 =	simm.s32 $0x1280  }
0x6: {  	s25 =	simm.s32 $0x1300;
	s28 =	simm.s32 $0x1400;
	s29 =	simm.s32 $0x1480  }
0x7: {  	s30 =	simm.s32 $0x1500;
	s31 =	simm.s32 $0x1580;
	s11 =	simm.s32 $0x1700  }
0x8: {  	s12 =	simm.s32 $0x1780;
	s13 =	simm.s32 $0x1800;
	s14 =	simm.s32 $0x1880  }
0x9: {  	s15 =	simm.s32 $0x0;
	s0 =	sand.u32 $0x1, s0;
	s2 =	sshll.u32 s2, $0x1  }
0xa: {  	s4 =	sor.u32 s0, s2;
	s2 =	simm.s32 $0x0;
	s0 =	ssub.s32 $0x2, s0  }
0xb: {  	s3 =	smul.u32 $0x320, s4;
	[smem:$0x7FF] =	sst s2;
	s26 =	sshrl.u32 s0, $0x1  }
0xc: {  	s7 =	sshll.u32 s4, $0xA;
	_ =	strace $0x80000047;
	s0 =	ssub.s32 s0, s26  }
0xd: {  	s5 =	sadd.s32 s5, s7;
	s7 =	simm.s32 $0x2;
	s26 =	simm.s32 $0x1380  }
0xe: {  	s6 =	sadd.s32 s3, s1;
	s3 =	sadd.s32 $0xF42A00, s1;
	s1 =	simm.s32 $0x1600  }
0xf: {  	s4 =	sadd.s32 $0x600, s6;
	s6 =	smax.u32 s0, $0x1;
	s0 =	simm.s32 $0x1680  }
.LBB2_1:
0x10: {  	[tilespmem:s2], [sflag:$0x2] =	stream.linear.gather [hbm4b:s4+s2], $0x1900, $0x38;
	[tilespmem:$0x3900] =	vst v63  }
0x11: {  	_ =	swait.ge [sflag:s7], $0x1900  }
0x12: {  	[sflag:s7] =	ssyncset.done $0x0  }
0x13: {  	[sflag:s7] =	ssyncadd.s32 $0xFFFFE700  }
0x14: {  	[tilespmem:s9], [sflag:$0x1] =	stream.indirect.gather [hbm4b:s3+s8], $0x40, s2, s8, $0xb8;
	[tilespmem:$0x3900] =	vst v63  }
0x15: {  	_ =	swait.ge [sflag:s10], $0x2000  }
0x16: {  	[sflag:s10] =	ssyncset.done $0x0  }
0x17: {  	[sflag:s10] =	ssyncadd.s32 $0xFFFFE000  }
0x18: {  	[tilespmem:s9], [sflag:$0x1] =	stream.indirect.gather.add.f32 [hbm:s3], $0x40, s8, s8, $0xb8;
	[tilespmem:$0x3900] =	vst v63  }
0x19: {  	s16 =	simm.s32 $0x100  }
0x1a: {  	[tilespmem:s9], [sflag:$0x1] =	stream.indirect.gather.add.f32 [hbm:s3], $0x40, s16, s8, $0xb8;
	[tilespmem:$0x3900] =	vst v63  }
0x1b: {  	s18 =	simm.s32 $0x180  }
0x1c: {  	[tilespmem:s9], [sflag:$0x1] =	stream.indirect.gather.add.f32 [hbm:s3], $0x40, s18, s8, $0xb8;
	[tilespmem:$0x3900] =	vst v63  }
0x1d: {  	s17 =	simm.s32 $0x200  }
0x1e: {  	[tilespmem:s9], [sflag:$0x1] =	stream.indirect.gather.add.f32 [hbm:s3], $0x40, s17, s8, $0xb8;
	[tilespmem:$0x3900] =	vst v63  }
0x1f: {  	s18 =	simm.s32 $0x280  }
0x20: {  	[tilespmem:s9], [sflag:$0x1] =	stream.indirect.gather.add.f32 [hbm:s3], $0x40, s18, s8, $0xb8;
	[tilespmem:$0x3900] =	vst v63  }
0x21: {  	s17 =	simm.s32 $0x300  }
0x22: {  	[tilespmem:s9], [sflag:$0x1] =	stream.indirect.gather.add.f32 [hbm:s3], $0x40, s17, s8, $0xb8;
	[tilespmem:$0x3900] =	vst v63  }
0x23: {  	s18 =	simm.s32 $0x380  }
0x24: {  	[tilespmem:s9], [sflag:$0x1] =	stream.indirect.gather.add.f32 [hbm:s3], $0x40, s18, s8, $0xb8;
	[tilespmem:$0x3900] =	vst v63  }
0x25: {  	s17 =	simm.s32 $0x400  }
0x26: {  	[tilespmem:s9], [sflag:$0x1] =	stream.indirect.gather.add.f32 [hbm:s3], $0x40, s17, s8, $0xb8;
	[tilespmem:$0x3900] =	vst v63  }
0x27: {  	s18 =	simm.s32 $0x480  }
0x28: {  	[tilespmem:s9], [sflag:$0x1] =	stream.indirect.gather.add.f32 [hbm:s3], $0x40, s18, s8, $0xb8;
	[tilespmem:$0x3900] =	vst v63  }
0x29: {  	s17 =	simm.s32 $0x500  }
0x2a: {  	[tilespmem:s9], [sflag:$0x1] =	stream.indirect.gather.add.f32 [hbm:s3], $0x40, s17, s8, $0xb8;
	[tilespmem:$0x3900] =	vst v63  }
0x2b: {  	s18 =	simm.s32 $0x580  }
0x2c: {  	[tilespmem:s9], [sflag:$0x1] =	stream.indirect.gather.add.f32 [hbm:s3], $0x40, s18, s8, $0xb8;
	[tilespmem:$0x3900] =	vst v63  }
0x2d: {  	s17 =	simm.s32 $0x600  }
0x2e: {  	[tilespmem:s9], [sflag:$0x1] =	stream.indirect.gather.add.f32 [hbm:s3], $0x40, s17, s8, $0xb8;
	[tilespmem:$0x3900] =	vst v63  }
0x2f: {  	s18 =	simm.s32 $0x680  }
0x30: {  	[tilespmem:s9], [sflag:$0x1] =	stream.indirect.gather.add.f32 [hbm:s3], $0x40, s18, s8, $0xb8;
	[tilespmem:$0x3900] =	vst v63  }
0x31: {  	s17 =	simm.s32 $0x700  }
0x32: {  	[tilespmem:s9], [sflag:$0x1] =	stream.indirect.gather.add.f32 [hbm:s3], $0x40, s17, s8, $0xb8;
	[tilespmem:$0x3900] =	vst v63  }
0x33: {  	s18 =	simm.s32 $0x780  }
0x34: {  	[tilespmem:s9], [sflag:$0x1] =	stream.indirect.gather.add.f32 [hbm:s3], $0x40, s18, s8, $0xb8;
	[tilespmem:$0x3900] =	vst v63  }
0x35: {  	s17 =	simm.s32 $0x800  }
0x36: {  	[tilespmem:s9], [sflag:$0x1] =	stream.indirect.gather.add.f32 [hbm:s3], $0x40, s17, s8, $0xb8;
	[tilespmem:$0x3900] =	vst v63  }
0x37: {  	s18 =	simm.s32 $0x880  }
0x38: {  	[tilespmem:s9], [sflag:$0x1] =	stream.indirect.gather.add.f32 [hbm:s3], $0x40, s18, s8, $0xb8;
	[tilespmem:$0x3900] =	vst v63  }
0x39: {  	s17 =	simm.s32 $0x900  }
0x3a: {  	[tilespmem:s9], [sflag:$0x1] =	stream.indirect.gather.add.f32 [hbm:s3], $0x40, s17, s8, $0xb8;
	[tilespmem:$0x3900] =	vst v63  }
0x3b: {  	s18 =	simm.s32 $0x980  }
0x3c: {  	[tilespmem:s9], [sflag:$0x1] =	stream.indirect.gather.add.f32 [hbm:s3], $0x40, s18, s8, $0xb8;
	[tilespmem:$0x3900] =	vst v63  }
0x3d: {  	s17 =	simm.s32 $0xA00  }
0x3e: {  	[tilespmem:s9], [sflag:$0x1] =	stream.indirect.gather.add.f32 [hbm:s3], $0x40, s17, s8, $0xb8;
	[tilespmem:$0x3900] =	vst v63  }
0x3f: {  	s18 =	simm.s32 $0xA80  }
0x40: {  	[tilespmem:s9], [sflag:$0x1] =	stream.indirect.gather.add.f32 [hbm:s3], $0x40, s18, s8, $0xb8;
	[tilespmem:$0x3900] =	vst v63  }
0x41: {  	s17 =	simm.s32 $0xB00  }
0x42: {  	[tilespmem:s9], [sflag:$0x1] =	stream.indirect.gather.add.f32 [hbm:s3], $0x40, s17, s8, $0xb8;
	[tilespmem:$0x3900] =	vst v63  }
0x43: {  	s18 =	simm.s32 $0xB80  }
0x44: {  	[tilespmem:s9], [sflag:$0x1] =	stream.indirect.gather.add.f32 [hbm:s3], $0x40, s18, s8, $0xb8;
	[tilespmem:$0x3900] =	vst v63  }
0x45: {  	s17 =	simm.s32 $0xC00  }
0x46: {  	[tilespmem:s9], [sflag:$0x1] =	stream.indirect.gather.add.f32 [hbm:s3], $0x40, s17, s8, $0xb8;
	[tilespmem:$0x3900] =	vst v63  }
0x47: {  	s18 =	simm.s32 $0xC80  }
0x48: {  	[tilespmem:s9], [sflag:$0x1] =	stream.indirect.gather.add.f32 [hbm:s3], $0x40, s18, s8, $0xb8;
	[tilespmem:$0x3900] =	vst v63  }
0x49: {  	s17 =	simm.s32 $0xD00  }
0x4a: {  	[tilespmem:s9], [sflag:$0x1] =	stream.indirect.gather.add.f32 [hbm:s3], $0x40, s17, s8, $0xb8;
	[tilespmem:$0x3900] =	vst v63  }
0x4b: {  	s18 =	simm.s32 $0xD80  }
0x4c: {  	[tilespmem:s9], [sflag:$0x1] =	stream.indirect.gather.add.f32 [hbm:s3], $0x40, s18, s8, $0xb8;
	[tilespmem:$0x3900] =	vst v63  }
0x4d: {  	s17 =	simm.s32 $0xE00  }
0x4e: {  	[tilespmem:s9], [sflag:$0x1] =	stream.indirect.gather.add.f32 [hbm:s3], $0x40, s17, s8, $0xb8;
	[tilespmem:$0x3900] =	vst v63  }
0x4f: {  	s18 =	simm.s32 $0xE80  }
0x50: {  	[tilespmem:s9], [sflag:$0x1] =	stream.indirect.gather.add.f32 [hbm:s3], $0x40, s18, s8, $0xb8;
	[tilespmem:$0x3900] =	vst v63  }
0x51: {  	s17 =	simm.s32 $0xF00  }
0x52: {  	[tilespmem:s9], [sflag:$0x1] =	stream.indirect.gather.add.f32 [hbm:s3], $0x40, s17, s8, $0xb8;
	[tilespmem:$0x3900] =	vst v63  }
0x53: {  	s18 =	simm.s32 $0xF80  }
0x54: {  	[tilespmem:s9], [sflag:$0x1] =	stream.indirect.gather.add.f32 [hbm:s3], $0x40, s18, s8, $0xb8;
	[tilespmem:$0x3900] =	vst v63  }
0x55: {  	_ = 	snop  }
0x56: {  	[tilespmem:s9], [sflag:$0x1] =	stream.indirect.gather.add.f32 [hbm:s3], $0x40, s19, s8, $0xb8;
	[tilespmem:$0x3900] =	vst v63  }
0x57: {  	_ = 	snop  }
0x58: {  	[tilespmem:s9], [sflag:$0x1] =	stream.indirect.gather.add.f32 [hbm:s3], $0x40, s20, s8, $0xb8;
	[tilespmem:$0x3900] =	vst v63  }
0x59: {  	_ = 	snop  }
0x5a: {  	[tilespmem:s9], [sflag:$0x1] =	stream.indirect.gather.add.f32 [hbm:s3], $0x40, s21, s8, $0xb8;
	[tilespmem:$0x3900] =	vst v63  }
0x5b: {  	_ = 	snop  }
0x5c: {  	[tilespmem:s9], [sflag:$0x1] =	stream.indirect.gather.add.f32 [hbm:s3], $0x40, s22, s8, $0xb8;
	[tilespmem:$0x3900] =	vst v63  }
0x5d: {  	_ = 	snop  }
0x5e: {  	[tilespmem:s9], [sflag:$0x1] =	stream.indirect.gather.add.f32 [hbm:s3], $0x40, s23, s8, $0xb8;
	[tilespmem:$0x3900] =	vst v63  }
0x5f: {  	_ = 	snop  }
0x60: {  	[tilespmem:s9], [sflag:$0x1] =	stream.indirect.gather.add.f32 [hbm:s3], $0x40, s24, s8, $0xb8;
	[tilespmem:$0x3900] =	vst v63  }
0x61: {  	_ = 	snop  }
0x62: {  	[tilespmem:s9], [sflag:$0x1] =	stream.indirect.gather.add.f32 [hbm:s3], $0x40, s25, s8, $0xb8;
	[tilespmem:$0x3900] =	vst v63  }
0x63: {  	_ = 	snop  }
0x64: {  	[tilespmem:s9], [sflag:$0x1] =	stream.indirect.gather.add.f32 [hbm:s3], $0x40, s26, s8, $0xb8;
	[tilespmem:$0x3900] =	vst v63  }
0x65: {  	_ = 	snop  }
0x66: {  	[tilespmem:s9], [sflag:$0x1] =	stream.indirect.gather.add.f32 [hbm:s3], $0x40, s28, s8, $0xb8;
	[tilespmem:$0x3900] =	vst v63  }
0x67: {  	_ = 	snop  }
0x68: {  	[tilespmem:s9], [sflag:$0x1] =	stream.indirect.gather.add.f32 [hbm:s3], $0x40, s29, s8, $0xb8;
	[tilespmem:$0x3900] =	vst v63  }
0x69: {  	_ = 	snop  }
0x6a: {  	[tilespmem:s9], [sflag:$0x1] =	stream.indirect.gather.add.f32 [hbm:s3], $0x40, s30, s8, $0xb8;
	[tilespmem:$0x3900] =	vst v63  }
0x6b: {  	_ = 	snop  }
0x6c: {  	[tilespmem:s9], [sflag:$0x1] =	stream.indirect.gather.add.f32 [hbm:s3], $0x40, s31, s8, $0xb8;
	[tilespmem:$0x3900] =	vst v63  }
0x6d: {  	_ = 	snop  }
0x6e: {  	[tilespmem:s9], [sflag:$0x1] =	stream.indirect.gather.add.f32 [hbm:s3], $0x40, s1, s8, $0xb8;
	[tilespmem:$0x3900] =	vst v63  }
0x6f: {  	_ = 	snop  }
0x70: {  	[tilespmem:s9], [sflag:$0x1] =	stream.indirect.gather.add.f32 [hbm:s3], $0x40, s0, s8, $0xb8;
	[tilespmem:$0x3900] =	vst v63  }
0x71: {  	_ = 	snop  }
0x72: {  	[tilespmem:s9], [sflag:$0x1] =	stream.indirect.gather.add.f32 [hbm:s3], $0x40, s11, s8, $0xb8;
	[tilespmem:$0x3900] =	vst v63  }
0x73: {  	_ = 	snop  }
0x74: {  	[tilespmem:s9], [sflag:$0x1] =	stream.indirect.gather.add.f32 [hbm:s3], $0x40, s12, s8, $0xb8;
	[tilespmem:$0x3900] =	vst v63  }
0x75: {  	_ = 	snop  }
0x76: {  	[tilespmem:s9], [sflag:$0x1] =	stream.indirect.gather.add.f32 [hbm:s3], $0x40, s13, s8, $0xb8;
	[tilespmem:$0x3900] =	vst v63  }
0x77: {  	s16 =	simm.s32 $0x31  }
0x78: {  	[tilespmem:s9], [sflag:$0x1] =	stream.indirect.gather.add.f32 [hbm:s3], $0x40, s14, s8, $0xb8;
	[tilespmem:$0x3900] =	vst v63  }
.LBB2_2:
0x79: {  	p0 =	sne.s32 s16, $0x1  }
.Ltmp0:
0x7a: {  	_ = 	snop;
	(pc) =	sbr.rel @p0 .LBB2_2-.Ltmp0, $4  }
0x7b: {  	_ = 	snop  }
0x7c: {  	_ =	swait.ge [sflag:s10], $0x2000  }
0x7d: {  	[sflag:s10] =	ssyncset.done $0x0  }
0x7e: {  	s16 =	sadd.s32 $0xFFFFFFFF, s16;
	[sflag:s10] =	ssyncadd.s32 $0xFFFFE000  }
0x7f: {  	s16 =	simm.s32 $0x0  }
0x80: {  	v0 =	vld [tilespmem:s16+$0x1900]  }
0x81: {  	v2 =	vld [tilespmem:s16+$0x1910]  }
0x82: {  	s17 =	simm.s32 $0x100;
	v1 =	vld [tilespmem:s16+$0x1920]  }
.LBB2_4:
0x83: {  	p0 =	sne.s32 s17, $0x7F00;
	v3 =	vld [tilespmem:s16+$0x1930];
	_ =	sdelay $0x1  }
0x84: {  	v0 =	vmul.f32 $1.999999960e-02, v0  }
.Ltmp1:
0x85: {  	v2 =	vmul.f32 $1.999999960e-02, v2;
	(pc) =	sbr.rel @p0 .LBB2_4-.Ltmp1, $4  }
0x86: {  	s18 =	sshra.s32 s17, $0x2;
	[tilespmem:s16+$0x1900] =	vst v0;
	v1 =	vmul.f32 $1.999999960e-02, v1  }
0x87: {  	v0 =	vld [tilespmem:s18+$0x1900];
	[tilespmem:s16+$0x1910] =	vst v2;
	v3 =	vmul.f32 $1.999999960e-02, v3  }
0x88: {  	v2 =	vld [tilespmem:s18+$0x1910];
	[tilespmem:s16+$0x1920] =	vst v1  }
0x89: {  	s17 =	sadd.s32 $0x100, s17;
	v1 =	vld [tilespmem:s18+$0x1920];
	[tilespmem:s16+$0x1930] =	vst v3;
	s16 =	smov.u32 s18  }
0x8a: {  	v3 =	vld [tilespmem:s16+$0x1930];
	_ =	sdelay $0x1  }
0x8b: {  	v0 =	vmul.f32 $1.999999960e-02, v0  }
0x8c: {  	v2 =	vmul.f32 $1.999999960e-02, v2  }
0x8d: {  	[tilespmem:s16+$0x1900] =	vst v0;
	v62 =	vmul.f32 $1.999999960e-02, v1  }
0x8e: {  	s15 =	sadd.s32 $0x1, s15;
	[tilespmem:s16+$0x1910] =	vst v2;
	v63 =	vmul.f32 $1.999999960e-02, v3  }
0x8f: {  	p0 =	sne.s32 s15, s6;
	[tilespmem:s16+$0x1920] =	vst v62  }
.Ltmp2:
0x90: {  	[tilespmem:s16+$0x1930] =	vst v63;
	(pc) =	sbr.rel @p0 .LBB2_1-.Ltmp2, $4  }
0x91: {  	[hbm4b:s5+s2] =	stream.linear.scatter [tilespmem:s9], [sflag:$0x2], $0x2000, $0x38;
	[tilespmem:$0x3900] =	vst v63  }
0x92: {  	_ =	swait.ge [sflag:s7], $0x2000  }
0x93: {  	[sflag:s7] =	ssyncset.done $0x0  }
0x94: {  	[sflag:s7] =	ssyncadd.s32 $0xFFFFE000  }
0x95: {  	_ =	sfence.sel $0x180000  }
0x96: {  	[bflag:$0x0] =	sbarrier.arrive $0xFFFF  }
0x97: {  	_ =	strace $0x90000047  }
0x98: {  	s0 =	stileid.u32;
	[bflag:$0x2] =	sbarrier.arrive $0xFFFF  }
0x99: {  	p0 =	sne.s32 s0, $0x0;
	s0 =	rddreg [dreg:$0x2]  }
0x9a: {  	s0 =	sadd.s32 @!p0 $0x100000, s0  }
0x9b: {  	[sflag:s0] =	ssyncadd.tile.s32 @!p0 $0x1;
	_ =	shalt  }
.Lfunc_end2:
_tile_overlayer_lowered:
.L_overlay_start_2:
0x9c: {  	(tag) =	ssettag $0x2  }
0x9d: {  	s0 =	rddreg [dreg:$0x0];
	s2 =	stileid.u32  }
0x9e: {  	s1 =	rddreg [dreg:$0x1];
	p0 =	sne.s32 s2, $0x0  }
0x9f: {  	s3 =	rddreg [dreg:$0x2];
	[bflag:$0x3] =	sbarrier.arrive $0xFFFF;
	s2 =	simm.s32 @!p0 $0x1C02  }
0xa0: {  	[timem:s3], [sflag:s2] =	dma.local @!p0 [hbm:s0], s1  }
0xa1: {  	s0 =	simm.s32 @!p0 $0x2  }
0xa2: {  	_ =	swait.ge @!p0 [sflag:s0], s1  }
0xa3: {  	s1 =	ssub.s32 @!p0 $0x0, s1;
	[sflag:s0] =	ssyncset.done @!p0 $0x0  }
0xa4: {  	[sflag:s0] =	ssyncadd.s32 @!p0 s1  }
0xa5: {  	[bflag:$0x3] =	sbarrier.arrive $0xFFFF  }
0xa6: {  	_ =	shalt  }

</sc_bundles>
